<compile_context>
chip_gen: v7x
topology: tpu7x:2x2x1
jax: 0.10.2.dev20260603
libtpu: 0.0.44.dev20260713+nightly
codegen_flags: <defaults>
</compile_context>

<pallas_src>
import jax
import jax.numpy as jnp
from jax import lax
from jax.experimental import pallas as pl
from jax.experimental.pallas import tpu as pltpu
from jax.experimental.pallas import tpu_sc as plsc

QUANT_LEVELS = 1000
LATENT_DIM = 64
EMB_DIM = 6 * LATENT_DIM
B, L = 1024, 200
N = B * L

NC, NS = 2, 16
NW = NC * NS
B_PER_W = B // NW


def _sc_body(ids_hbm, table_hbm, x_hbm, idx_all, rows_v, gsem):
    wid = lax.axis_index("s") * NC + lax.axis_index("c")
    b0 = pl.multiple_of(wid * B_PER_W, B_PER_W)

    pltpu.sync_copy(ids_hbm.at[pl.ds(b0 * L, B_PER_W * L)], idx_all)

    def row_block(rb, carry):
        loc = pl.multiple_of(rb * L, 8)
        pltpu.async_copy(
            table_hbm.at[idx_all.at[pl.ds(loc, L)]], rows_v, gsem).wait()
        pltpu.sync_copy(rows_v, x_hbm.at[b0 + rb, :, :])
        return carry

    lax.fori_loop(0, B_PER_W, row_block, 0)


@jax.jit
def _sc_gather(ids_flat, table):
    scratch = [
        pltpu.VMEM((B_PER_W * L,), jnp.int32),
        pltpu.VMEM((L, EMB_DIM), jnp.float32),
        pltpu.SemaphoreType.DMA,
    ]
    mesh = plsc.VectorSubcoreMesh(core_axis_name="c", subcore_axis_name="s",
                                  num_cores=NC, num_subcores=NS)
    k = pl.kernel(_sc_body, out_type=jax.ShapeDtypeStruct((B, L, EMB_DIM),
                                                          jnp.float32),
                  mesh=mesh, scratch_types=scratch)
    return k(ids_flat, table)


def _softplus(v):
    return jnp.maximum(v, 0.0) + jnp.log1p(jnp.exp(-jnp.abs(v)))


def _sigmoid(v):
    return 1.0 / (1.0 + jnp.exp(-v))


_ACTS = (_softplus, _softplus, _sigmoid, _sigmoid, _sigmoid, _sigmoid)

_BB = 32


def _tc_body(x_ref, o0, o1, o2, o3, o4, o5):
    outs = (o0, o1, o2, o3, o4, o5)
    x = x_ref[...]
    for s in range(6):
        outs[s][...] = _ACTS[s](x[:, :, s * LATENT_DIM:(s + 1) * LATENT_DIM])


@jax.jit
def _tc_acts(x):
    d = LATENT_DIM
    out_shape = tuple(jax.ShapeDtypeStruct((B, L, d), jnp.float32)
                      for _ in range(6))
    return pl.pallas_call(
        _tc_body,
        grid=(B // _BB,),
        in_specs=[pl.BlockSpec((_BB, L, EMB_DIM), lambda i: (i, 0, 0))],
        out_specs=tuple(pl.BlockSpec((_BB, L, d), lambda i: (i, 0, 0))
                        for _ in range(6)),
        out_shape=out_shape,
    )(x)


def kernel(quant_ids, table):
    x = _sc_gather(quant_ids.reshape(N), table)
    return (x,) + tuple(_tc_acts(x))

# --- scband reference (transcript-rebuilt; emitter-appended) ---
"""Pipeline reference for scband-statistical-model-65146063946031 (READ-ONLY COPY).

The authoritative reference and input builder live on the scoring server;
editing this copy changes nothing except your own understanding.
"""

import jax, jax.numpy as jnp
import numpy as np

QUANT_LEVELS = 1000
LATENT_DIM = 64
EMB_DIM = 6 * LATENT_DIM
B, L = 1024, 200


def setup_inputs(seed: int = 0) -> dict:
    key = jax.random.key(seed)
    quant_ids = jax.random.randint(key, (B, L), 0, QUANT_LEVELS, dtype=jnp.int32)
    # Module initializes the embedding table to all zeros (faithful to torch __init__)
    table = jnp.zeros((QUANT_LEVELS, EMB_DIM), dtype=jnp.float32)
    return {"quant_ids": quant_ids, "table": table}


def reference(quant_ids, table):
    d = LATENT_DIM
    x = jnp.take(table, quant_ids, axis=0)  # embedding lookup -> [B, L, 6*d]
    quant_scale = jax.nn.softplus(x[..., 0 * d:1 * d])
    dead_zone = jax.nn.softplus(x[..., 1 * d:2 * d])
    r_hard = jax.nn.sigmoid(x[..., 2 * d:3 * d])
    theta_hard = jax.nn.sigmoid(x[..., 3 * d:4 * d])
    r_soft = jax.nn.sigmoid(x[..., 4 * d:5 * d])
    theta_soft = jax.nn.sigmoid(x[..., 5 * d:6 * d])
    return (x, quant_scale, dead_zone, r_hard, theta_hard, r_soft, theta_soft)

if __name__ == "__main__":
    import jax
    _d = setup_inputs()
    print(jax.jit(kernel)(*tuple(_d.values())))

</pallas_src>

<mosaic_0001>
#map = affine_map<(d0, d1) -> (0)>
#map1 = affine_map<(d0, d1) -> (0, 0)>
#map2 = affine_map<(d0, d1) -> (0, 0, 0)>
module attributes {stable_mosaic.version = 14 : i64} {
  func.func @_sc_body(%arg0: i32, %arg1: i32, %arg2: memref<204800xi32, #tpu.memory_space<hbm>>, %arg3: memref<1000x384xf32, #tpu.memory_space<hbm>>, %arg4: memref<1024x200x384xf32, #tpu.memory_space<hbm>>, %arg5: memref<6400xi32, #tpu.memory_space<vmem>>, %arg6: memref<200x384xf32, #tpu.memory_space<vmem>>, %arg7: memref<!tpu.dma_semaphore, #tpu.memory_space<semaphore_mem>>) attributes {dimension_semantics = [#tpu.dimension_semantics<core_parallel>, #tpu.dimension_semantics<subcore_parallel>], iteration_bounds = array<i64: 2, 16>, scalar_prefetch = 0 : i64, scratch_operands = 3 : i64, tpu.core_type = #tpu.core_type<sc_vector_subcore>, window_params = [{transform_indices = #map}, {transform_indices = #map1}, {transform_indices = #map2}]} {
    %mul3A = arith.constant 2 : i32
    %mul3A_0 = arith.muli %arg1, %mul3A : i32
    %add3A = arith.addi %mul3A_0, %arg0 : i32
    %mul3A_1 = arith.constant 32 : i32
    %mul3A_2 = arith.muli %add3A, %mul3A_1 : i32
    %multiple_of3A = tpu.assume_multiple %mul3A_2, 32 : i32
    %mul3A_3 = arith.constant 200 : i32
    %mul3A_4 = arith.muli %multiple_of3A, %mul3A_3 : i32
    "tpu.region"() ({
      %run_scoped3A = tpu.sem_alloc : memref<!tpu.dma_semaphore, #tpu.memory_space<semaphore_mem>>
      %dma_start3A = tpu.memref_slice %arg2[%mul3A_4] : memref<204800xi32, #tpu.memory_space<hbm>> -> memref<6400xi32, #tpu.memory_space<hbm>>
      %dma_start3A_10 = tpu.memref_slice %arg2[%mul3A_4] : memref<204800xi32, #tpu.memory_space<hbm>> -> memref<6400xi32, #tpu.memory_space<hbm>>
      tpu.enqueue_dma source(%dma_start3A_10 : memref<6400xi32, #tpu.memory_space<hbm>>) target(%arg5 : memref<6400xi32, #tpu.memory_space<vmem>>) target_semaphore(%run_scoped3A : memref<!tpu.dma_semaphore, #tpu.memory_space<semaphore_mem>>)
      %dma_wait3A = tpu.memref_slice %arg2[%mul3A_4] : memref<204800xi32, #tpu.memory_space<hbm>> -> memref<6400xi32, #tpu.memory_space<hbm>>
      %dma_wait3A_11 = tpu.memref_slice %arg2[%mul3A_4] : memref<204800xi32, #tpu.memory_space<hbm>> -> memref<6400xi32, #tpu.memory_space<hbm>>
      tpu.wait_dma2 semaphore(%run_scoped3A : memref<!tpu.dma_semaphore, #tpu.memory_space<semaphore_mem>>) src(%dma_wait3A_11 : memref<6400xi32, #tpu.memory_space<hbm>>) dst(%arg5 : memref<6400xi32, #tpu.memory_space<vmem>>)
      tpu.yield
    }) : () -> ()
    %scan3A = arith.constant 0 : i32
    %scan3A_5 = arith.constant 0 : i32
    %scan3A_6 = arith.constant 32 : i32
    %scan3A_7 = arith.addi %scan3A_5, %scan3A_6 : i32
    %scan3A_8 = arith.constant 1 : i32
    scf.for %scan3A_10 = %scan3A_5 to %scan3A_7 step %scan3A_8  : i32 {
      %mul3A_11 = arith.constant 200 : i32
      %mul3A_12 = arith.muli %scan3A_10, %mul3A_11 : i32
      %multiple_of3A_13 = tpu.assume_multiple %mul3A_12, 8 : i32
      %dma_start3A = tpu.memref_slice %arg5[%multiple_of3A_13] : memref<6400xi32, #tpu.memory_space<vmem>> -> memref<200xi32, #tpu.memory_space<vmem>>
      %dma_start3A_14 = arith.constant 0 : i32
      %dma_start3A_15 = arith.constant 0 : i32
      %dma_start3A_16 = tpu.memref_slice %arg3[%dma_start3A_14, %dma_start3A_15] : memref<1000x384xf32, #tpu.memory_space<hbm>> -> memref<1000x384xf32, #tpu.memory_space<hbm>>
      tpu.enqueue_indirect_dma source(%dma_start3A_16 : memref<1000x384xf32, #tpu.memory_space<hbm>>) target(%arg6 : memref<200x384xf32, #tpu.memory_space<vmem>>) offsets(%dma_start3A : memref<200xi32, #tpu.memory_space<vmem>>) semaphore(%arg7 : memref<!tpu.dma_semaphore, #tpu.memory_space<semaphore_mem>>)
      %dma_wait3A = tpu.memref_slice %arg5[%multiple_of3A_13] : memref<6400xi32, #tpu.memory_space<vmem>> -> memref<200xi32, #tpu.memory_space<vmem>>
      %dma_wait3A_17 = arith.constant 0 : i32
      %dma_wait3A_18 = arith.constant 0 : i32
      %dma_wait3A_19 = tpu.memref_slice %arg3[%dma_wait3A_17, %dma_wait3A_18] : memref<1000x384xf32, #tpu.memory_space<hbm>> -> memref<1000x384xf32, #tpu.memory_space<hbm>>
      tpu.wait_indirect_dma semaphore(%arg7 : memref<!tpu.dma_semaphore, #tpu.memory_space<semaphore_mem>>) src(%dma_wait3A_19 : memref<1000x384xf32, #tpu.memory_space<hbm>>) dst(%arg6 : memref<200x384xf32, #tpu.memory_space<vmem>>)
      %add3A_20 = arith.addi %multiple_of3A, %scan3A_10 : i32
      "tpu.region"() ({
        %run_scoped3A = tpu.sem_alloc : memref<!tpu.dma_semaphore, #tpu.memory_space<semaphore_mem>>
        %dma_start3A_21 = arith.constant 0 : i32
        %dma_start3A_22 = arith.constant 0 : i32
        %dma_start3A_23 = tpu.memref_slice %arg4[%add3A_20, %dma_start3A_21, %dma_start3A_22] : memref<1024x200x384xf32, #tpu.memory_space<hbm>> -> memref<1x200x384xf32, #tpu.memory_space<hbm>>
        %dma_start3A_24 = tpu.memref_squeeze %dma_start3A_23 : memref<1x200x384xf32, #tpu.memory_space<hbm>> -> memref<200x384xf32, #tpu.memory_space<hbm>>
        %dma_start3A_25 = arith.constant 0 : i32
        %dma_start3A_26 = arith.constant 0 : i32
        %dma_start3A_27 = tpu.memref_slice %arg4[%add3A_20, %dma_start3A_25, %dma_start3A_26] : memref<1024x200x384xf32, #tpu.memory_space<hbm>> -> memref<1x200x384xf32, #tpu.memory_space<hbm>>
        %dma_start3A_28 = tpu.memref_squeeze %dma_start3A_27 : memref<1x200x384xf32, #tpu.memory_space<hbm>> -> memref<200x384xf32, #tpu.memory_space<hbm>>
        tpu.enqueue_dma source(%arg6 : memref<200x384xf32, #tpu.memory_space<vmem>>) target(%dma_start3A_28 : memref<200x384xf32, #tpu.memory_space<hbm>>) target_semaphore(%run_scoped3A : memref<!tpu.dma_semaphore, #tpu.memory_space<semaphore_mem>>)
        %dma_wait3A_29 = arith.constant 0 : i32
        %dma_wait3A_30 = arith.constant 0 : i32
        %dma_wait3A_31 = tpu.memref_slice %arg4[%add3A_20, %dma_wait3A_29, %dma_wait3A_30] : memref<1024x200x384xf32, #tpu.memory_space<hbm>> -> memref<1x200x384xf32, #tpu.memory_space<hbm>>
        %dma_wait3A_32 = tpu.memref_squeeze %dma_wait3A_31 : memref<1x200x384xf32, #tpu.memory_space<hbm>> -> memref<200x384xf32, #tpu.memory_space<hbm>>
        %dma_wait3A_33 = arith.constant 0 : i32
        %dma_wait3A_34 = arith.constant 0 : i32
        %dma_wait3A_35 = tpu.memref_slice %arg4[%add3A_20, %dma_wait3A_33, %dma_wait3A_34] : memref<1024x200x384xf32, #tpu.memory_space<hbm>> -> memref<1x200x384xf32, #tpu.memory_space<hbm>>
        %dma_wait3A_36 = tpu.memref_squeeze %dma_wait3A_35 : memref<1x200x384xf32, #tpu.memory_space<hbm>> -> memref<200x384xf32, #tpu.memory_space<hbm>>
        tpu.wait_dma2 semaphore(%run_scoped3A : memref<!tpu.dma_semaphore, #tpu.memory_space<semaphore_mem>>) src(%arg6 : memref<200x384xf32, #tpu.memory_space<vmem>>) dst(%dma_wait3A_36 : memref<200x384xf32, #tpu.memory_space<hbm>>)
        tpu.yield
      }) : () -> ()
    }
    %scan3A_9 = arith.constant 32 : i32
    return
  }
}

</mosaic_0001>

<sc_bundles>
// kernel: _sc_gather.3.cloned.1.call-start
scs
__scs_entry_jumppad:
0x0: {  	(pc) =	sbr.rel $0x88, $3  }
0x1: {  	(tag) =	ssettag $0x0;
	lr =	simm.s32 $0x1  }
0x2: {  	[smem:$0x3F9F] =	sst lr;
	_ =	strace $0xD0000000  }
0x3: {  	_ = 	snop  }
0x4: {  	_ = 	snop  }
0x5: {  	_ = 	snop  }
0x6: {  	_ = 	snop  }
0x7: {  	_ = 	snop  }
__scs_overlays_trampoline_lowered:
0x8: {  	[smem:$0x3FAE] =	sst s0  }
0x9: {  	[smem:$0x3FAF] =	sst s1  }
0xa: {  	[smem:$0x3FB0] =	sst s2  }
0xb: {  	[smem:$0x3FB1] =	sst s3  }
0xc: {  	[smem:$0x3FB2] =	sst s4  }
0xd: {  	[smem:$0x3FB3] =	sst s5  }
0xe: {  	[smem:$0x3FB4] =	sst s6  }
0xf: {  	[smem:$0x3FB5] =	sst s7  }
0x10: {  	[smem:$0x3FB6] =	sst s8  }
0x11: {  	[smem:$0x3FB7] =	sst s9;
	s0 =	simm.s32 @!p0 $0x0  }
0x12: {  	s1 =	sld [smem:$0x3F9D];
	s0 =	simm.s32 @p0 $0x1  }
0x13: {  	[smem:$0x3FB8] =	sst s0;
	s0 =	simm.s32 @!p1 $0x0  }
0x14: {  	s2 =	sld [smem:$0x3F9C];
	s0 =	simm.s32 @p1 $0x1  }
0x15: {  	[smem:$0x3FB9] =	sst s0;
	s0 =	simm.s32 @!p2 $0x0  }
0x16: {  	s3 =	sld [smem:$0x3FDB];
	s0 =	simm.s32 @p2 $0x1  }
0x17: {  	s4 =	simm.s32 $0x1BF5;
	[smem:$0x3FBB] =	sst s0  }
0x18: {  	s0 =	sld [smem:$0x3F9E];
	_ =	swait.ge [sflag:s4], $0x0  }
0x19: {  	s7 =	sld [smem:$0x3F9F]  }
0x1a: {  	s8 =	sadd.s32 $0xFFFFE003, lr  }
0x1b: {  	s9 =	sadd.s32 $0xFFFFFEF7, lr;
	s5 =	simm.s32 $0xFFFFFFFF;
	p2 =	slt.u32 s8, $0xFFFFF086  }
0x1c: {  	p1 =	slt.u32 s9, $0xF7A;
	s5 =	simm.s32 @!p2 $0x0  }
0x1d: {  	s5 =	simm.s32 @p1 $0x1;
	p0 =	seq.s32 s7, s2  }
0x1e: {  	s7 =	smul.u32 @!p0 $0xF7A, s2;
	p2 =	seq.s32 @!p0 s5, $0x0  }
0x1f: {  	s9 =	smul.u32 $0xF7A, s1;
	s8 =	simm.s32 @!p0 $0x1BF5;
	p2 =	por !p2, p0  }
0x20: {  	[sflag:s8] =	ssyncset.s32 @!p0 $0xFFFFF086;
	s6 =	sadd.s32 @!p0 s3, s7;
	s7 =	simm.s32 @!p0 $0x108  }
0x21: {  	s3 =	sadd.s32 s3, s9;
	s6 =	sadd.s32 @!p0 $0x88, s6;
	s7 =	simm.s32 @p2 $0x1082  }
0x22: {  	[simem:s7], [sflag:s8] =	dma.local @!p0 [hbm:s6], $0xF7A  }
0x23: {  	s9 =	sor.u32 $0xD0000000, s2;
	s6 =	simm.s32 $0x108;
	_ =	swait.ge @!p0 [sflag:s8], $0x0  }
0x24: {  	s3 =	sadd.s32 $0x88, s3;
	s6 =	simm.s32 @!p1 $0x1082;
	[sflag:s4] =	ssyncset.s32 $0xFFFFF086  }
0x25: {  	[simem:s6], [sflag:s4] =	dma.local [hbm:s3], $0xF7A  }
0x26: {  	[smem:$0x3F9F] =	sst s1;
	(tag) =	ssettag s2;
	_ =	strace s9  }
0x27: {  	s1 =	sld [smem:$0x3FAF]  }
0x28: {  	s2 =	sld [smem:$0x3FB0]  }
0x29: {  	s4 =	sld [smem:$0x3FB2]  }
0x2a: {  	p0 =	seq.s32 s5, $0x0;
	s5 =	sld [smem:$0x3FB3]  }
0x2b: {  	s6 =	sld [smem:$0x3FB4]  }
0x2c: {  	s7 =	sld [smem:$0x3FB5]  }
0x2d: {  	s3 =	simm.s32 $0x108;
	s8 =	sld [smem:$0x3FB6]  }
0x2e: {  	s3 =	simm.s32 @!p0 $0x1082;
	s9 =	sld [smem:$0x3FB7]  }
0x2f: {  	lr =	sadd.s32 s0, s3;
	s0 =	sld [smem:$0x3FAE]  }
0x30: {  	s3 =	sld [smem:$0x3FB1]  }
0x31: {  	[smem:$0x3FBA] =	sst s10  }
0x32: {  	s10 =	sld [smem:$0x3FB8];
	_ =	sdelay $0x3  }
0x33: {  	p0 =	seq.s32 s10, $0x1;
	s10 =	sld [smem:$0x3FBA];
	_ =	sdelay $0x3  }
0x34: {  	[smem:$0x3FBA] =	sst s10  }
0x35: {  	s10 =	sld [smem:$0x3FB9];
	_ =	sdelay $0x3  }
0x36: {  	p1 =	seq.s32 s10, $0x1;
	s10 =	sld [smem:$0x3FBA];
	_ =	sdelay $0x3  }
0x37: {  	[smem:$0x3FBA] =	sst s10  }
0x38: {  	s10 =	sld [smem:$0x3FBB]  }
0x39: {  	_ = 	snop;
	(pc) =	sbr.ind lr, $3  }
0x3a: {  	_ = 	snop  }
0x3b: {  	_ = 	snop  }
0x3c: {  	p2 =	seq.s32 s10, $0x1;
	s10 =	sld [smem:$0x3FBA]  }
0x3d: {  	_ =	shalt  }
0x3e: {  	_ =	shalt  }
0x3f: {  	_ =	shalt  }
0x40: {  	_ =	shalt  }
0x41: {  	_ =	shalt  }
0x42: {  	_ =	shalt  }
0x43: {  	_ =	shalt  }
0x44: {  	_ =	shalt  }
0x45: {  	_ =	shalt  }
0x46: {  	_ =	shalt  }
0x47: {  	_ =	shalt  }
0x48: {  	_ =	shalt  }
0x49: {  	_ =	shalt  }
0x4a: {  	_ =	shalt  }
0x4b: {  	_ =	shalt  }
0x4c: {  	_ =	shalt  }
0x4d: {  	_ =	shalt  }
0x4e: {  	_ =	shalt  }
0x4f: {  	_ =	shalt  }
0x50: {  	_ =	shalt  }
0x51: {  	_ =	shalt  }
0x52: {  	_ =	shalt  }
0x53: {  	_ =	shalt  }
0x54: {  	_ =	shalt  }
0x55: {  	_ =	shalt  }
0x56: {  	_ =	shalt  }
0x57: {  	_ =	shalt  }
0x58: {  	_ =	shalt  }
0x59: {  	_ =	shalt  }
0x5a: {  	_ =	shalt  }
0x5b: {  	_ =	shalt  }
0x5c: {  	_ =	shalt  }
0x5d: {  	_ =	shalt  }
0x5e: {  	_ =	shalt  }
0x5f: {  	_ =	shalt  }
0x60: {  	_ =	shalt  }
0x61: {  	_ =	shalt  }
0x62: {  	_ =	shalt  }
0x63: {  	_ =	shalt  }
0x64: {  	_ =	shalt  }
0x65: {  	_ =	shalt  }
0x66: {  	_ =	shalt  }
0x67: {  	_ =	shalt  }
0x68: {  	_ =	shalt  }
0x69: {  	_ =	shalt  }
0x6a: {  	_ =	shalt  }
0x6b: {  	_ =	shalt  }
0x6c: {  	_ =	shalt  }
0x6d: {  	_ =	shalt  }
0x6e: {  	_ =	shalt  }
0x6f: {  	_ =	shalt  }
0x70: {  	_ =	shalt  }
0x71: {  	_ =	shalt  }
0x72: {  	_ =	shalt  }
0x73: {  	_ =	shalt  }
0x74: {  	_ =	shalt  }
0x75: {  	_ =	shalt  }
0x76: {  	_ =	shalt  }
0x77: {  	_ =	shalt  }
0x78: {  	_ =	shalt  }
0x79: {  	_ =	shalt  }
0x7a: {  	_ =	shalt  }
0x7b: {  	_ =	shalt  }
0x7c: {  	_ =	shalt  }
0x7d: {  	_ =	shalt  }
0x7e: {  	_ =	shalt  }
0x7f: {  	_ =	shalt  }
0x80: {  	_ =	shalt  }
0x81: {  	_ =	shalt  }
0x82: {  	_ =	shalt  }
0x83: {  	_ =	shalt  }
0x84: {  	_ =	shalt  }
0x85: {  	_ =	shalt  }
0x86: {  	_ =	shalt  }
0x87: {  	_ =	shalt  }
.Lfunc_end0:
.L_simem_size_0:
called_computation_lowered:
.L_overlay_start_0:
0x88: {  	s2 =	sld [smem:$0x3FD9]  }
0x89: {  	s3 =	sld [smem:$0x3FFE];
	_ =	sdelay $0x1  }
0x8a: {  	s1 =	srdreg.scid  }
0x8b: {  	s0 =	sand.u32 $0x1, s1  }
0x8c: {  	s18 =	sshll.u32 s0, $0xA;
	s2 =	sadd.s32 s3, s2  }
0x8d: {  	s2 =	sadd.s32 s2, s18  }
0x8e: {  	[smem:$0x3FC6] =	sst s2  }
0x8f: {  	_ = 	snop  }
0x90: {  	s2 =	sld [smem:$0x3FC9]  }
0x91: {  	s19 =	sld [smem:$0x3FC8]  }
0x92: {  	s4 =	sld [smem:$0x3FD0];
	(tm) =	ssettm $0x1  }
0x93: {  	s5 =	sld [smem:$0x3FFB];
	_ =	sdelay $0x3  }
0x94: {  	_ =	strace s5  }
0x95: {  	s5 =	sld [smem:$0x3FFC];
	_ =	sdelay $0x3  }
0x96: {  	_ =	strace s5  }
0x97: {  	s5 =	sld [smem:$0x3FFD];
	_ =	sdelay $0x3  }
0x98: {  	_ =	strace s5  }
0x99: {  	_ =	strace $0x8FFFFFFF  }
0x9a: {  	s20 =	sld [smem:$0x3FDB];
	_ =	sdelay $0x1  }
0x9b: {  	s6 =	simm.s32 $_scs_section_size  }
0x9c: {  	s7 =	simm.s32 $_size__tile_overlayer_lowered;
	s8 =	simm.s32 $_tile_overlayer_lowered  }
0x9d: {  	s23 =	simm.s32 $0x1BFF;
	s22 =	sshll.u32 s8, $0x1;
	s5 =	sadd.s32 s6, s20  }
0x9e: {  	s9 =	simm.s32 $0x0;
	s21 =	sshll.u32 s7, $0x1;
	s7 =	sadd.s32 s22, s5  }
0x9f: {  	[timem:s9], [sflag:s23] =	dma.local [hbm:s7], s21  }
0xa0: {  	_ =	swait.ge [sflag:s23], s21  }
0xa1: {  	s6 =	ssub.s32 $0x0, s21;
	[sflag:s23] =	ssyncset.done $0x0  }
0xa2: {  	[sflag:s23] =	ssyncadd.s32 s6;
	_ =	sdelay $0x1  }
0xa3: {  	s24 =	simm.s32 $0x1B8B  }
0xa4: {  	_ =	swait.ge [sflag:s24], $0x1  }
0xa5: {  	[sflag:s24] =	ssyncset.done $0x0  }
0xa6: {  	s25 =	simm.s32 $0x1B8E;
	[sflag:s24] =	ssyncadd.s32 $0xFFFFFFFF  }
0xa7: {  	s26 =	simm.s32 $execute0_lowered;
	[smem:$0x3FD2] =	sst s25  }
0xa8: {  	s6 =	sshll.u32 s26, $0x1;
	_ =	strace $0x80000046;
	[dreg:$0x1] =	wrdreg $0xFFFFFFFF  }
0xa9: {  	s28 =	simm.s32 $_size_execute0_lowered;
	s5 =	sadd.s32 s5, s6;
	[dreg:$0x0] =	wrdreg $0x0  }
0xaa: {  	s6 =	sshll.u32 s28, $0x1;
	[dreg:$0x2] =	wrdreg s5  }
0xab: {  	[dreg:$0x3] =	wrdreg s6  }
0xac: {  	[dreg:$0x4] =	wrdreg $0xC0  }
0xad: {  	_ =	task [dreg:s9], $0x5FFFF  }
0xae: {  	[dreg:$0x1] =	wrdreg $0xFFFFFFFF  }
0xaf: {  	[dreg:$0x0] =	wrdreg $0x60  }
0xb0: {  	[dreg:$0x2] =	wrdreg s2  }
0xb1: {  	[dreg:$0x3] =	wrdreg s19  }
0xb2: {  	[dreg:$0x4] =	wrdreg s4  }
0xb3: {  	[dreg:$0x5] =	wrdreg $0x9  }
0xb4: {  	_ =	task.clear_ibuf [dreg:s9], $0x6FFFF;
	_ =	strace $0x90000046  }
0xb5: {  	s29 =	simm.s32 $0x9;
	_ =	strace $0x80000048  }
0xb6: {  	_ =	swait.ge [sflag:s29], $0x1  }
0xb7: {  	[sflag:s29] =	ssyncadd.s32 $0xFFFFFFFF  }
0xb8: {  	_ =	strace $0x90000048  }
0xb9: {  	_ =	sfence  }
0xba: {  	s30 =	sld [smem:$0x0];
	_ =	sdelay $0x2  }
0xbb: {  	s31 =	sshll.u32 s1, $0xD;
	s1 =	sshrl.u32 s1, $0x2  }
0xbc: {  	s3 =	sand.u32 $0x4000, s31;
	s1 =	sadd.s32 s1, s30  }
0xbd: {  	s0 =	sor.u32 s3, s0;
	s1 =	sshll.u32 s1, $0x11  }
0xbe: {  	s0 =	sor.u32 s1, s0  }
0xbf: {  	s0 =	sadd.s32 $0x8F2B, s0  }
0xc0: {  	[sflag:s0] =	ssyncadd.remote.s32 $0x1  }
0xc1: {  	_ =	sfence.sel $0xFFFF  }
0xc2: {  	[dreg:$0x0] =	wrdreg $0xFFFFFFFF;
	(pc) =	sbr.abs _section_cstart, $3  }
0xc3: {  	[dreg:$0x1] =	wrdreg $0xFFFFFFFF  }
0xc4: {  	_ =	task.clear_ibuf [dreg:s9], $0x2FFFF;
	_ =	strace $0x9FFFFFFF  }
0xc5: {  	(tm) =	ssettm $0x7FFFFFFF  }
tec
execute0_lowered:
.L_overlay_start_1:
0x0: {  	(tag) =	ssettag $0x1  }
0x1: {  	s0 =	rddreg [dreg:$0x0]  }
0x2: {  	s2 =	rddreg [dreg:$0x1]  }
0x3: {  	s4 =	rddreg [dreg:$0x2];
	s3 =	simm.s32 $0x0  }
0x4: {  	s16 =	simm.s32 $0x2100;
	[smem:$0x7FF] =	sst s3  }
0x5: {  	s17 =	simm.s32 $0x2500;
	_ =	strace $0x80000047;
	[dreg:$0x5] =	wrdreg s16  }
0x6: {  	s18 =	simm.s32 $0x2D00;
	[dreg:$0x6] =	wrdreg s17  }
0x7: {  	s19 =	simm.s32 $0x3100;
	[dreg:$0x7] =	wrdreg s18  }
0x8: {  	s20 =	simm.s32 $0x3900;
	[dreg:$0x8] =	wrdreg s19  }
0x9: {  	s21 =	simm.s32 $0x3D00;
	[dreg:$0x9] =	wrdreg s20  }
0xa: {  	s22 =	simm.s32 $0x4500;
	[dreg:$0xa] =	wrdreg s21  }
0xb: {  	s23 =	simm.s32 $0x4900;
	[dreg:$0xb] =	wrdreg s22  }
0xc: {  	s1 =	srdreg.scid;
	s24 =	simm.s32 $0x5100;
	[dreg:$0xc] =	wrdreg s23  }
0xd: {  	s7 =	stileid.u32;
	s25 =	simm.s32 $0x5500;
	[dreg:$0xd] =	wrdreg s24  }
0xe: {  	s26 =	simm.s32 $0x5D00;
	s8 =	simm.s32 $0x6D00;
	[dreg:$0xe] =	wrdreg s25  }
0xf: {  	s9 =	simm.s32 $0x7500;
	s10 =	simm.s32 $0x7900;
	[dreg:$0xf] =	wrdreg s26  }
0x10: {  	s11 =	simm.s32 $0x8100;
	s12 =	simm.s32 $0x8500;
	[dreg:$0x12] =	wrdreg s8  }
0x11: {  	s14 =	simm.s32 $0x8D00;
	s28 =	simm.s32 $0x13900;
	[dreg:$0x13] =	wrdreg s9  }
0x12: {  	s29 =	simm.s32 $0x14100;
	s30 =	simm.s32 $0x1;
	[dreg:$0x14] =	wrdreg s10  }
0x13: {  	s31 =	simm.s32 $0x0;
	s1 =	sand.u32 $0x1, s1;
	[dreg:$0x15] =	wrdreg s11  }
0x14: {  	s5 =	smul.u32 $0x96000, s7;
	s7 =	sshll.u32 s7, $0x6;
	[dreg:$0x16] =	wrdreg s12  }
0x15: {  	s6 =	smul.u32 $0x4B000, s1;
	s13 =	ssub.s32 $0x2, s1;
	[dreg:$0x17] =	wrdreg s14  }
0x16: {  	s16 =	simm.s32 $0x9100;
	s17 =	simm.s32 $0x9900;
	s1 =	sshll.u32 s1, $0x5  }
0x17: {  	s18 =	simm.s32 $0x9D00;
	s19 =	simm.s32 $0xA500;
	[dreg:$0x18] =	wrdreg s16  }
0x18: {  	s20 =	simm.s32 $0xA900;
	s21 =	simm.s32 $0xB100;
	[dreg:$0x19] =	wrdreg s17  }
0x19: {  	s22 =	simm.s32 $0xB500;
	s23 =	simm.s32 $0xBD00;
	[dreg:$0x1a] =	wrdreg s18  }
0x1a: {  	s25 =	simm.s32 $0xC100;
	s26 =	simm.s32 $0xC900;
	[dreg:$0x1b] =	wrdreg s19  }
0x1b: {  	s8 =	simm.s32 $0x1900;
	s9 =	simm.s32 $0xCD00;
	[dreg:$0x1c] =	wrdreg s20  }
0x1c: {  	s10 =	simm.s32 $0xD500;
	s11 =	simm.s32 $0xD900;
	[dreg:$0x1d] =	wrdreg s21  }
0x1d: {  	s12 =	simm.s32 $0xE100;
	s14 =	simm.s32 $0xED00;
	[dreg:$0x1e] =	wrdreg s22  }
0x1e: {  	s4 =	sadd.s32 s5, s4;
	s5 =	simm.s32 $0x6100;
	[dreg:$0x1f] =	wrdreg s23  }
0x1f: {  	s15 =	sshrl.u32 s13, $0x1;
	s1 =	sor.u32 s1, s7;
	[smem:$0x7FC] =	sst s25  }
0x20: {  	s7 =	simm.s32 $0x2;
	[smem:$0x7FD] =	sst s26;
	s16 =	simm.s32 $0xF900  }
0x21: {  	s17 =	simm.s32 $0xFD00;
	s18 =	simm.s32 $0x10500;
	s19 =	simm.s32 $0x10900  }
0x22: {  	s20 =	simm.s32 $0x11100;
	s21 =	simm.s32 $0x11500;
	s22 =	simm.s32 $0x11D00  }
0x23: {  	s23 =	simm.s32 $0x12100;
	s25 =	simm.s32 $0x12D00;
	s26 =	simm.s32 $0x13500  }
0x24: {  	s4 =	sadd.s32 s6, s4;
	[dreg:$0x10] =	wrdreg s5;
	s1 =	smul.u32 $0x19, s1  }
0x25: {  	s6 =	simm.s32 $0x6900;
	s5 =	sadd.s32 $0x100, s2;
	[dreg:$0x4] =	wrdreg s4  }
0x26: {  	v2 =	vlaneseq.u32;
	[dreg:$0x11] =	wrdreg s6;
	s6 =	ssub.s32 s13, s15;
	s0 =	sadd.s32 s0, s1  }
0x27: {  	vm0 =	vmmov $0xffff;
	vm1 =	vmmov $0xff;
	v1 =	vshrl.u32 v2, $0x3;
	s13 =	simm.s32 $0xE500;
	s24 =	smax.u32 s6, $0x1;
	[smem:$0x7FA] =	sst s0  }
0x28: {  	v0 =	vand.u32 $0x7, v2;
	v2 =	vor.u32 $0x8, v2;
	v1 =	vmul.u32 $0x8, v1;
	s15 =	simm.s32 $0xF100;
	[smem:$0x7FB] =	sst s24;
	s24 =	simm.s32 $0x12900  }
.LBB2_1:
0x29: {  	s0 =	sld [smem:$0x7FA];
	_ =	sdelay $0x2  }
0x2a: {  	[tilespmem:s3], [sflag:$0x2] =	stream.linear.gather [hbm4b:s0+s3], $0x1900, $0x38;
	[tilespmem:$0x14500] =	vst v63  }
0x2b: {  	_ =	swait.ge [sflag:s7], $0x1900  }
0x2c: {  	[sflag:s7] =	ssyncset.done $0x0  }
0x2d: {  	s1 =	simm.s32 $0x60;
	s0 =	simm.s32 $0x0;
	[sflag:s7] =	ssyncadd.s32 $0xFFFFE700  }
.LBB2_2:
0x2e: {  	v3 =	vld [tilespmem:s1+$0xFFFFFFA0];
	_ =	sdelay $0x4  }
0x2f: {  	v4 =	vshrl.u32 v3, $0x3  }
0x30: {  	v4 =	vmul.u32 $0x18, v4  }
0x31: {  	v3 =	vand.u32 $0x7, v3  }
0x32: {  	v3 =	vor.u32 v3, v4  }
0x33: {  	v4 =	vperm.xlane v3, v0;
	_ =	sdelay $0x1  }
0x34: {  	v4 =	vadd.s32 v1, v4;
	_ =	sdelay $0x1  }
0x35: {  	v3 =	vperm.xlane v3, v2;
	_ =	sdelay $0x1  }
0x36: {  	v3 =	vadd.s32 v1, v3  }
0x37: {  	[tilespmem:s8], [sflag:$0x1] =	stream.indirect_vreg.gather [hbm4b:s2+s3], $0x80, v4, vm0, $0xb8;
	[tilespmem:$0x14500] =	vst v63  }
0x38: {  	s4 =	rddreg [dreg:$0x5]  }
0x39: {  	[tilespmem:s4], [sflag:$0x1] =	stream.indirect_vreg.gather [hbm4b:s5+s3], $0x80, v4, vm1, $0xb8;
	[tilespmem:$0x14500] =	vst v63  }
0x3a: {  	s6 =	rddreg [dreg:$0x6]  }
0x3b: {  	[tilespmem:s6], [sflag:$0x1] =	stream.indirect_vreg.gather [hbm4b:s2+s3], $0x80, v3, vm0, $0xb8;
	[tilespmem:$0x14500] =	vst v63  }
0x3c: {  	s4 =	rddreg [dreg:$0x7]  }
0x3d: {  	[tilespmem:s4], [sflag:$0x1] =	stream.indirect_vreg.gather [hbm4b:s5+s3], $0x80, v3, vm1, $0xb8;
	[tilespmem:$0x14500] =	vst v63  }
0x3e: {  	v3 =	vld [tilespmem:s1+$0xFFFFFFB0];
	_ =	sdelay $0x4  }
0x3f: {  	v52 =	vshrl.u32 v3, $0x3  }
0x40: {  	v4 =	vmul.u32 $0x18, v52  }
0x41: {  	v3 =	vand.u32 $0x7, v3  }
0x42: {  	v3 =	vor.u32 v3, v4  }
0x43: {  	v4 =	vperm.xlane v3, v0;
	_ =	sdelay $0x1  }
0x44: {  	v4 =	vadd.s32 v1, v4;
	_ =	sdelay $0x1  }
0x45: {  	v3 =	vperm.xlane v3, v2;
	_ =	sdelay $0x1  }
0x46: {  	s4 =	rddreg [dreg:$0x8];
	v3 =	vadd.s32 v1, v3  }
0x47: {  	[tilespmem:s4], [sflag:$0x1] =	stream.indirect_vreg.gather [hbm4b:s2+s3], $0x80, v4, vm0, $0xb8;
	[tilespmem:$0x14500] =	vst v63  }
0x48: {  	s6 =	rddreg [dreg:$0x9]  }
0x49: {  	[tilespmem:s6], [sflag:$0x1] =	stream.indirect_vreg.gather [hbm4b:s5+s3], $0x80, v4, vm1, $0xb8;
	[tilespmem:$0x14500] =	vst v63  }
0x4a: {  	s4 =	rddreg [dreg:$0xa]  }
0x4b: {  	[tilespmem:s4], [sflag:$0x1] =	stream.indirect_vreg.gather [hbm4b:s2+s3], $0x80, v3, vm0, $0xb8;
	[tilespmem:$0x14500] =	vst v63  }
0x4c: {  	s6 =	rddreg [dreg:$0xb]  }
0x4d: {  	[tilespmem:s6], [sflag:$0x1] =	stream.indirect_vreg.gather [hbm4b:s5+s3], $0x80, v3, vm1, $0xb8;
	[tilespmem:$0x14500] =	vst v63  }
0x4e: {  	v3 =	vld [tilespmem:s1+$0xFFFFFFC0];
	_ =	sdelay $0x4  }
0x4f: {  	v53 =	vshrl.u32 v3, $0x3  }
0x50: {  	v4 =	vmul.u32 $0x18, v53  }
0x51: {  	v3 =	vand.u32 $0x7, v3  }
0x52: {  	v3 =	vor.u32 v3, v4  }
0x53: {  	v4 =	vperm.xlane v3, v0;
	_ =	sdelay $0x1  }
0x54: {  	v4 =	vadd.s32 v1, v4;
	_ =	sdelay $0x1  }
0x55: {  	v3 =	vperm.xlane v3, v2;
	_ =	sdelay $0x1  }
0x56: {  	s4 =	rddreg [dreg:$0xc];
	v3 =	vadd.s32 v1, v3  }
0x57: {  	[tilespmem:s4], [sflag:$0x1] =	stream.indirect_vreg.gather [hbm4b:s2+s3], $0x80, v4, vm0, $0xb8;
	[tilespmem:$0x14500] =	vst v63  }
0x58: {  	s6 =	rddreg [dreg:$0xd]  }
0x59: {  	[tilespmem:s6], [sflag:$0x1] =	stream.indirect_vreg.gather [hbm4b:s5+s3], $0x80, v4, vm1, $0xb8;
	[tilespmem:$0x14500] =	vst v63  }
0x5a: {  	s4 =	rddreg [dreg:$0xe]  }
0x5b: {  	[tilespmem:s4], [sflag:$0x1] =	stream.indirect_vreg.gather [hbm4b:s2+s3], $0x80, v3, vm0, $0xb8;
	[tilespmem:$0x14500] =	vst v63  }
0x5c: {  	s6 =	rddreg [dreg:$0xf]  }
0x5d: {  	[tilespmem:s6], [sflag:$0x1] =	stream.indirect_vreg.gather [hbm4b:s5+s3], $0x80, v3, vm1, $0xb8;
	[tilespmem:$0x14500] =	vst v63  }
0x5e: {  	v3 =	vld [tilespmem:s1+$0xFFFFFFD0];
	_ =	sdelay $0x4  }
0x5f: {  	v54 =	vshrl.u32 v3, $0x3  }
0x60: {  	v4 =	vmul.u32 $0x18, v54  }
0x61: {  	v3 =	vand.u32 $0x7, v3  }
0x62: {  	v3 =	vor.u32 v3, v4  }
0x63: {  	v4 =	vperm.xlane v3, v0;
	_ =	sdelay $0x1  }
0x64: {  	v4 =	vadd.s32 v1, v4;
	_ =	sdelay $0x1  }
0x65: {  	v3 =	vperm.xlane v3, v2;
	_ =	sdelay $0x1  }
0x66: {  	s4 =	rddreg [dreg:$0x10];
	v3 =	vadd.s32 v1, v3  }
0x67: {  	[tilespmem:s4], [sflag:$0x1] =	stream.indirect_vreg.gather [hbm4b:s2+s3], $0x80, v4, vm0, $0xb8;
	[tilespmem:$0x14500] =	vst v63  }
0x68: {  	s6 =	rddreg [dreg:$0x11]  }
0x69: {  	[tilespmem:s6], [sflag:$0x1] =	stream.indirect_vreg.gather [hbm4b:s5+s3], $0x80, v4, vm1, $0xb8;
	[tilespmem:$0x14500] =	vst v63  }
0x6a: {  	s4 =	rddreg [dreg:$0x12]  }
0x6b: {  	[tilespmem:s4], [sflag:$0x1] =	stream.indirect_vreg.gather [hbm4b:s2+s3], $0x80, v3, vm0, $0xb8;
	[tilespmem:$0x14500] =	vst v63  }
0x6c: {  	s6 =	rddreg [dreg:$0x13]  }
0x6d: {  	[tilespmem:s6], [sflag:$0x1] =	stream.indirect_vreg.gather [hbm4b:s5+s3], $0x80, v3, vm1, $0xb8;
	[tilespmem:$0x14500] =	vst v63  }
0x6e: {  	v3 =	vld [tilespmem:s1+$0xFFFFFFE0];
	_ =	sdelay $0x4  }
0x6f: {  	v55 =	vshrl.u32 v3, $0x3  }
0x70: {  	v4 =	vmul.u32 $0x18, v55  }
0x71: {  	v3 =	vand.u32 $0x7, v3  }
0x72: {  	v3 =	vor.u32 v3, v4  }
0x73: {  	v4 =	vperm.xlane v3, v0;
	_ =	sdelay $0x1  }
0x74: {  	v4 =	vadd.s32 v1, v4;
	_ =	sdelay $0x1  }
0x75: {  	v3 =	vperm.xlane v3, v2;
	_ =	sdelay $0x1  }
0x76: {  	s4 =	rddreg [dreg:$0x14];
	v3 =	vadd.s32 v1, v3  }
0x77: {  	[tilespmem:s4], [sflag:$0x1] =	stream.indirect_vreg.gather [hbm4b:s2+s3], $0x80, v4, vm0, $0xb8;
	[tilespmem:$0x14500] =	vst v63  }
0x78: {  	s6 =	rddreg [dreg:$0x15]  }
0x79: {  	[tilespmem:s6], [sflag:$0x1] =	stream.indirect_vreg.gather [hbm4b:s5+s3], $0x80, v4, vm1, $0xb8;
	[tilespmem:$0x14500] =	vst v63  }
0x7a: {  	s4 =	rddreg [dreg:$0x16]  }
0x7b: {  	[tilespmem:s4], [sflag:$0x1] =	stream.indirect_vreg.gather [hbm4b:s2+s3], $0x80, v3, vm0, $0xb8;
	[tilespmem:$0x14500] =	vst v63  }
0x7c: {  	s6 =	rddreg [dreg:$0x17]  }
0x7d: {  	[tilespmem:s6], [sflag:$0x1] =	stream.indirect_vreg.gather [hbm4b:s5+s3], $0x80, v3, vm1, $0xb8;
	[tilespmem:$0x14500] =	vst v63  }
0x7e: {  	v3 =	vld [tilespmem:s1+$0xFFFFFFF0];
	_ =	sdelay $0x4  }
0x7f: {  	v56 =	vshrl.u32 v3, $0x3  }
0x80: {  	v4 =	vmul.u32 $0x18, v56  }
0x81: {  	v3 =	vand.u32 $0x7, v3  }
0x82: {  	v3 =	vor.u32 v3, v4  }
0x83: {  	v4 =	vperm.xlane v3, v0;
	_ =	sdelay $0x1  }
0x84: {  	v4 =	vadd.s32 v1, v4;
	_ =	sdelay $0x1  }
0x85: {  	v3 =	vperm.xlane v3, v2;
	_ =	sdelay $0x1  }
0x86: {  	s4 =	rddreg [dreg:$0x18];
	v3 =	vadd.s32 v1, v3  }
0x87: {  	[tilespmem:s4], [sflag:$0x1] =	stream.indirect_vreg.gather [hbm4b:s2+s3], $0x80, v4, vm0, $0xb8;
	[tilespmem:$0x14500] =	vst v63  }
0x88: {  	s6 =	rddreg [dreg:$0x19]  }
0x89: {  	[tilespmem:s6], [sflag:$0x1] =	stream.indirect_vreg.gather [hbm4b:s5+s3], $0x80, v4, vm1, $0xb8;
	[tilespmem:$0x14500] =	vst v63  }
0x8a: {  	s4 =	rddreg [dreg:$0x1a]  }
0x8b: {  	[tilespmem:s4], [sflag:$0x1] =	stream.indirect_vreg.gather [hbm4b:s2+s3], $0x80, v3, vm0, $0xb8;
	[tilespmem:$0x14500] =	vst v63  }
0x8c: {  	s6 =	rddreg [dreg:$0x1b]  }
0x8d: {  	[tilespmem:s6], [sflag:$0x1] =	stream.indirect_vreg.gather [hbm4b:s5+s3], $0x80, v3, vm1, $0xb8;
	[tilespmem:$0x14500] =	vst v63  }
0x8e: {  	v3 =	vld [tilespmem:s1+$0x0];
	_ =	sdelay $0x4  }
0x8f: {  	v57 =	vshrl.u32 v3, $0x3  }
0x90: {  	v4 =	vmul.u32 $0x18, v57  }
0x91: {  	v3 =	vand.u32 $0x7, v3  }
0x92: {  	v3 =	vor.u32 v3, v4  }
0x93: {  	v4 =	vperm.xlane v3, v0;
	_ =	sdelay $0x1  }
0x94: {  	v4 =	vadd.s32 v1, v4;
	_ =	sdelay $0x1  }
0x95: {  	v3 =	vperm.xlane v3, v2;
	_ =	sdelay $0x1  }
0x96: {  	s4 =	rddreg [dreg:$0x1c];
	v3 =	vadd.s32 v1, v3  }
0x97: {  	[tilespmem:s4], [sflag:$0x1] =	stream.indirect_vreg.gather [hbm4b:s2+s3], $0x80, v4, vm0, $0xb8;
	[tilespmem:$0x14500] =	vst v63  }
0x98: {  	s6 =	rddreg [dreg:$0x1d]  }
0x99: {  	[tilespmem:s6], [sflag:$0x1] =	stream.indirect_vreg.gather [hbm4b:s5+s3], $0x80, v4, vm1, $0xb8;
	[tilespmem:$0x14500] =	vst v63  }
0x9a: {  	s4 =	rddreg [dreg:$0x1e]  }
0x9b: {  	[tilespmem:s4], [sflag:$0x1] =	stream.indirect_vreg.gather [hbm4b:s2+s3], $0x80, v3, vm0, $0xb8;
	[tilespmem:$0x14500] =	vst v63  }
0x9c: {  	s6 =	rddreg [dreg:$0x1f]  }
0x9d: {  	[tilespmem:s6], [sflag:$0x1] =	stream.indirect_vreg.gather [hbm4b:s5+s3], $0x80, v3, vm1, $0xb8;
	[tilespmem:$0x14500] =	vst v63  }
0x9e: {  	v3 =	vld [tilespmem:s1+$0x10];
	_ =	sdelay $0x4  }
0x9f: {  	v58 =	vshrl.u32 v3, $0x3  }
0xa0: {  	v4 =	vmul.u32 $0x18, v58  }
0xa1: {  	v3 =	vand.u32 $0x7, v3  }
0xa2: {  	v3 =	vor.u32 v3, v4  }
0xa3: {  	v4 =	vperm.xlane v3, v0;
	_ =	sdelay $0x1  }
0xa4: {  	v4 =	vadd.s32 v1, v4;
	_ =	sdelay $0x1  }
0xa5: {  	s4 =	sld [smem:$0x7FC];
	v3 =	vperm.xlane v3, v2;
	_ =	sdelay $0x1  }
0xa6: {  	s6 =	sld [smem:$0x7FD];
	v3 =	vadd.s32 v1, v3  }
0xa7: {  	[tilespmem:s4], [sflag:$0x1] =	stream.indirect_vreg.gather [hbm4b:s2+s3], $0x80, v4, vm0, $0xb8;
	[tilespmem:$0x14500] =	vst v63  }
0xa8: {  	_ = 	snop  }
0xa9: {  	[tilespmem:s6], [sflag:$0x1] =	stream.indirect_vreg.gather [hbm4b:s5+s3], $0x80, v4, vm1, $0xb8;
	[tilespmem:$0x14500] =	vst v63  }
0xaa: {  	_ = 	snop  }
0xab: {  	[tilespmem:s9], [sflag:$0x1] =	stream.indirect_vreg.gather [hbm4b:s2+s3], $0x80, v3, vm0, $0xb8;
	[tilespmem:$0x14500] =	vst v63  }
0xac: {  	_ = 	snop  }
0xad: {  	[tilespmem:s10], [sflag:$0x1] =	stream.indirect_vreg.gather [hbm4b:s5+s3], $0x80, v3, vm1, $0xb8;
	[tilespmem:$0x14500] =	vst v63  }
0xae: {  	v3 =	vld [tilespmem:s1+$0x20];
	_ =	sdelay $0x4  }
0xaf: {  	v59 =	vshrl.u32 v3, $0x3  }
0xb0: {  	v4 =	vmul.u32 $0x18, v59  }
0xb1: {  	v3 =	vand.u32 $0x7, v3  }
0xb2: {  	v3 =	vor.u32 v3, v4  }
0xb3: {  	v4 =	vperm.xlane v3, v0;
	_ =	sdelay $0x1  }
0xb4: {  	v4 =	vadd.s32 v1, v4;
	_ =	sdelay $0x1  }
0xb5: {  	v3 =	vperm.xlane v3, v2;
	_ =	sdelay $0x1  }
0xb6: {  	v3 =	vadd.s32 v1, v3  }
0xb7: {  	[tilespmem:s11], [sflag:$0x1] =	stream.indirect_vreg.gather [hbm4b:s2+s3], $0x80, v4, vm0, $0xb8;
	[tilespmem:$0x14500] =	vst v63  }
0xb8: {  	_ = 	snop  }
0xb9: {  	[tilespmem:s12], [sflag:$0x1] =	stream.indirect_vreg.gather [hbm4b:s5+s3], $0x80, v4, vm1, $0xb8;
	[tilespmem:$0x14500] =	vst v63  }
0xba: {  	_ = 	snop  }
0xbb: {  	[tilespmem:s13], [sflag:$0x1] =	stream.indirect_vreg.gather [hbm4b:s2+s3], $0x80, v3, vm0, $0xb8;
	[tilespmem:$0x14500] =	vst v63  }
0xbc: {  	_ = 	snop  }
0xbd: {  	[tilespmem:s14], [sflag:$0x1] =	stream.indirect_vreg.gather [hbm4b:s5+s3], $0x80, v3, vm1, $0xb8;
	[tilespmem:$0x14500] =	vst v63  }
0xbe: {  	v3 =	vld [tilespmem:s1+$0x30];
	_ =	sdelay $0x4  }
0xbf: {  	v60 =	vshrl.u32 v3, $0x3  }
0xc0: {  	v4 =	vmul.u32 $0x18, v60  }
0xc1: {  	v3 =	vand.u32 $0x7, v3  }
0xc2: {  	v3 =	vor.u32 v3, v4  }
0xc3: {  	v4 =	vperm.xlane v3, v0;
	_ =	sdelay $0x1  }
0xc4: {  	v4 =	vadd.s32 v1, v4;
	_ =	sdelay $0x1  }
0xc5: {  	v3 =	vperm.xlane v3, v2;
	_ =	sdelay $0x1  }
0xc6: {  	v3 =	vadd.s32 v1, v3  }
0xc7: {  	[tilespmem:s15], [sflag:$0x1] =	stream.indirect_vreg.gather [hbm4b:s2+s3], $0x80, v4, vm0, $0xb8;
	[tilespmem:$0x14500] =	vst v63  }
0xc8: {  	_ = 	snop  }
0xc9: {  	[tilespmem:s16], [sflag:$0x1] =	stream.indirect_vreg.gather [hbm4b:s5+s3], $0x80, v4, vm1, $0xb8;
	[tilespmem:$0x14500] =	vst v63  }
0xca: {  	_ = 	snop  }
0xcb: {  	[tilespmem:s17], [sflag:$0x1] =	stream.indirect_vreg.gather [hbm4b:s2+s3], $0x80, v3, vm0, $0xb8;
	[tilespmem:$0x14500] =	vst v63  }
0xcc: {  	_ = 	snop  }
0xcd: {  	[tilespmem:s18], [sflag:$0x1] =	stream.indirect_vreg.gather [hbm4b:s5+s3], $0x80, v3, vm1, $0xb8;
	[tilespmem:$0x14500] =	vst v63  }
0xce: {  	v3 =	vld [tilespmem:s1+$0x40];
	_ =	sdelay $0x4  }
0xcf: {  	v61 =	vshrl.u32 v3, $0x3  }
0xd0: {  	v4 =	vmul.u32 $0x18, v61  }
0xd1: {  	v3 =	vand.u32 $0x7, v3  }
0xd2: {  	v3 =	vor.u32 v3, v4  }
0xd3: {  	v4 =	vperm.xlane v3, v0;
	_ =	sdelay $0x1  }
0xd4: {  	v4 =	vadd.s32 v1, v4;
	_ =	sdelay $0x1  }
0xd5: {  	v3 =	vperm.xlane v3, v2;
	_ =	sdelay $0x1  }
0xd6: {  	v3 =	vadd.s32 v1, v3  }
0xd7: {  	[tilespmem:s19], [sflag:$0x1] =	stream.indirect_vreg.gather [hbm4b:s2+s3], $0x80, v4, vm0, $0xb8;
	[tilespmem:$0x14500] =	vst v63  }
0xd8: {  	_ = 	snop  }
0xd9: {  	[tilespmem:s20], [sflag:$0x1] =	stream.indirect_vreg.gather [hbm4b:s5+s3], $0x80, v4, vm1, $0xb8;
	[tilespmem:$0x14500] =	vst v63  }
0xda: {  	_ = 	snop  }
0xdb: {  	[tilespmem:s21], [sflag:$0x1] =	stream.indirect_vreg.gather [hbm4b:s2+s3], $0x80, v3, vm0, $0xb8;
	[tilespmem:$0x14500] =	vst v63  }
0xdc: {  	_ = 	snop  }
0xdd: {  	[tilespmem:s22], [sflag:$0x1] =	stream.indirect_vreg.gather [hbm4b:s5+s3], $0x80, v3, vm1, $0xb8;
	[tilespmem:$0x14500] =	vst v63  }
0xde: {  	v3 =	vld [tilespmem:s1+$0x50];
	_ =	sdelay $0x4  }
0xdf: {  	v62 =	vshrl.u32 v3, $0x3  }
0xe0: {  	v4 =	vmul.u32 $0x18, v62  }
0xe1: {  	v3 =	vand.u32 $0x7, v3  }
0xe2: {  	v3 =	vor.u32 v3, v4  }
0xe3: {  	v4 =	vperm.xlane v3, v0;
	_ =	sdelay $0x1  }
0xe4: {  	v4 =	vadd.s32 v1, v4;
	_ =	sdelay $0x1  }
0xe5: {  	v3 =	vperm.xlane v3, v2;
	_ =	sdelay $0x1  }
0xe6: {  	v3 =	vadd.s32 v1, v3  }
0xe7: {  	[tilespmem:s23], [sflag:$0x1] =	stream.indirect_vreg.gather [hbm4b:s2+s3], $0x80, v4, vm0, $0xb8;
	[tilespmem:$0x14500] =	vst v63  }
0xe8: {  	_ = 	snop  }
0xe9: {  	[tilespmem:s24], [sflag:$0x1] =	stream.indirect_vreg.gather [hbm4b:s5+s3], $0x80, v4, vm1, $0xb8;
	[tilespmem:$0x14500] =	vst v63  }
0xea: {  	_ = 	snop  }
0xeb: {  	[tilespmem:s25], [sflag:$0x1] =	stream.indirect_vreg.gather [hbm4b:s2+s3], $0x80, v3, vm0, $0xb8;
	[tilespmem:$0x14500] =	vst v63  }
0xec: {  	_ = 	snop  }
0xed: {  	[tilespmem:s26], [sflag:$0x1] =	stream.indirect_vreg.gather [hbm4b:s5+s3], $0x80, v3, vm1, $0xb8;
	[tilespmem:$0x14500] =	vst v63  }
0xee: {  	v3 =	vld.msk [tilespmem:s1+$0x60], $0xff;
	_ =	sdelay $0x4  }
0xef: {  	v63 =	vshrl.u32 v3, $0x3  }
0xf0: {  	v4 =	vmul.u32 $0x18, v63  }
0xf1: {  	v3 =	vand.u32 $0x7, v3  }
0xf2: {  	v3 =	vor.u32 v3, v4  }
0xf3: {  	v3 =	vperm.xlane v3, v0;
	_ =	sdelay $0x1  }
0xf4: {  	v3 =	vadd.s32 v1, v3;
	_ =	sdelay $0x4  }
0xf5: {  	[tilespmem:s28], [sflag:$0x1] =	stream.indirect_vreg.gather [hbm4b:s2+s3], $0x80, v3, vm0, $0xb8;
	[tilespmem:$0x14500] =	vst v63  }
0xf6: {  	_ = 	snop  }
0xf7: {  	[tilespmem:s29], [sflag:$0x1] =	stream.indirect_vreg.gather [hbm4b:s5+s3], $0x80, v3, vm1, $0xb8;
	[tilespmem:$0x14500] =	vst v63  }
0xf8: {  	_ =	swait.ge [sflag:s30], $0x12C00  }
0xf9: {  	p0 =	sne.s32 s0, $0x48A80;
	s6 =	rddreg [dreg:$0x4];
	[sflag:s30] =	ssyncset.done $0x0  }
.Ltmp0:
0xfa: {  	[sflag:s30] =	ssyncadd.s32 $0xFFFED400;
	s4 =	sadd.s32 s0, s6;
	(pc) =	sbr.rel @p0 .LBB2_2-.Ltmp0, $4  }
0xfb: {  	[hbm4b:s4+s3] =	stream.linear.scatter [tilespmem:s8], [sflag:$0x2], $0x12C00, $0x38;
	[tilespmem:$0x14500] =	vst v63  }
0xfc: {  	_ =	swait.ge [sflag:s7], $0x12C00  }
0xfd: {  	[sflag:s7] =	ssyncset.done $0x0  }
0xfe: {  	s1 =	sadd.s32 $0xC8, s1;
	s0 =	sadd.s32 $0x2580, s0;
	[sflag:s7] =	ssyncadd.s32 $0xFFFED400  }
0xff: {  	s0 =	sld [smem:$0x7FB];
	_ =	sdelay $0x1  }
0x100: {  	s31 =	sadd.s32 $0x1, s31  }
0x101: {  	p0 =	sne.s32 s31, s0  }
.Ltmp1:
0x102: {  	_ = 	snop;
	(pc) =	sbr.rel @p0 .LBB2_1-.Ltmp1, $1  }
0x103: {  	_ =	sdelay $0x3  }
0x104: {  	_ =	sfence.sel $0x180000  }
0x105: {  	[bflag:$0x0] =	sbarrier.arrive $0xFFFF  }
0x106: {  	_ =	strace $0x90000047  }
0x107: {  	s0 =	stileid.u32;
	[bflag:$0x2] =	sbarrier.arrive $0xFFFF  }
0x108: {  	p0 =	sne.s32 s0, $0x0;
	s0 =	rddreg [dreg:$0x3]  }
0x109: {  	s0 =	sadd.s32 @!p0 $0x100000, s0  }
0x10a: {  	[sflag:s0] =	ssyncadd.tile.s32 @!p0 $0x1;
	_ =	shalt  }
.Lfunc_end2:
_tile_overlayer_lowered:
.L_overlay_start_2:
0x10b: {  	(tag) =	ssettag $0x2  }
0x10c: {  	s0 =	rddreg [dreg:$0x0];
	s2 =	stileid.u32  }
0x10d: {  	s1 =	rddreg [dreg:$0x1];
	p0 =	sne.s32 s2, $0x0  }
0x10e: {  	s3 =	rddreg [dreg:$0x2];
	[bflag:$0x3] =	sbarrier.arrive $0xFFFF;
	s2 =	simm.s32 @!p0 $0x1C02  }
0x10f: {  	[timem:s3], [sflag:s2] =	dma.local @!p0 [hbm:s0], s1  }
0x110: {  	s0 =	simm.s32 @!p0 $0x2  }
0x111: {  	_ =	swait.ge @!p0 [sflag:s0], s1  }
0x112: {  	s1 =	ssub.s32 @!p0 $0x0, s1;
	[sflag:s0] =	ssyncset.done @!p0 $0x0  }
0x113: {  	[sflag:s0] =	ssyncadd.s32 @!p0 s1  }
0x114: {  	[bflag:$0x3] =	sbarrier.arrive $0xFFFF  }
0x115: {  	_ =	shalt  }

</sc_bundles>
